<compile_context>
chip_gen: v7x
topology: tpu7x:2x2x1
jax: 0.10.2.dev20260603
libtpu: 0.0.44.dev20260713+nightly
codegen_flags: <defaults>
</compile_context>

<pallas_src>
import functools

import jax
import jax.numpy as jnp
from jax import lax
from jax.experimental import pallas as pl
from jax.experimental.pallas import tpu as pltpu
from jax.experimental.pallas import tpu_sc as plsc

_B, _S, _D = 4, 8192, 2048
_NPOS = 64
_BS = _B * _S
_NS = 16
_NW = _NS
_ROWS = _B * _NPOS
_RPW = _ROWS // _NW
_WPB = _NPOS // _RPW


@functools.cache
def _sc_scatter():
    @functools.partial(
        pl.kernel,
        mesh=plsc.VectorSubcoreMesh(
            core_axis_name="c", subcore_axis_name="s",
            num_cores=1, num_subcores=_NS,
        ),
        scratch_types=[
            pltpu.VMEM((_NPOS,), jnp.int32),
            pltpu.VMEM((_RPW, _D), jnp.float32),
            pltpu.SemaphoreType.DMA,
            pltpu.SemaphoreType.DMA,
        ],
    )
    def body(act_hbm, tok_hbm, out_hbm, tok_v, act_v, s_tok, s_act):
        w = lax.axis_index("s")
        g = (w * _RPW) % _NPOS
        st_tok = pltpu.make_async_copy(tok_hbm, tok_v, s_tok)
        st_tok.start()
        st_act = pltpu.make_async_copy(act_hbm.at[pl.ds(g, _RPW)], act_v, s_act)
        st_act.start()
        st_tok.wait()
        st_act.wait()
        row_ids = tok_v[pl.ds(g, _RPW)] + (w // _WPB) * _S
        pltpu.async_copy(act_v, out_hbm.at[row_ids], s_tok).wait()

    return body


def kernel(output, activation, token_position):
    flat = output.reshape(_BS, _D)
    out_ref = jax.new_ref(flat)
    _sc_scatter()(activation, token_position, out_ref)
    return jax.freeze(out_ref).reshape(_B, _S, _D)

# --- scband reference (transcript-rebuilt; emitter-appended) ---
"""Pipeline reference for scband-write-intervention-42502996361507 (READ-ONLY COPY).

The authoritative reference and input builder live on the scoring server;
editing this copy changes nothing except your own understanding.
"""

import jax, jax.numpy as jnp
import numpy as np

B, S, D = 4, 8192, 2048
N_POS = 64

def setup_inputs(seed: int = 0) -> dict:
    key = jax.random.key(seed)
    k1, k2 = jax.random.split(key)
    output = jax.random.normal(k1, (B, S, D), dtype=jnp.float32)
    # 'activation' is the stored intervention payload from write_intervention_request
    # (one replacement vector per intervened token position, broadcast over batch).
    activation = jax.random.normal(k2, (N_POS, D), dtype=jnp.float32) * 0.02
    token_position = jnp.arange(0, S, S // N_POS, dtype=jnp.int32)  # 64 positions, stride 128
    return {"output": output, "activation": activation, "token_position": token_position}

def reference(output, activation, token_position):
    # Faithful translation of: output[:, token_position, :] = activation
    # (layer name matched -> intervention path taken). Scatter-overwrite on axis 1,
    # activation [N_POS, D] broadcasts across the batch dimension.
    out = output.at[:, token_position, :].set(activation)
    return out

if __name__ == "__main__":
    import jax
    _d = setup_inputs()
    print(jax.jit(kernel)(*tuple(_d.values())))

</pallas_src>

<mosaic_0001>
#map = affine_map<(d0, d1) -> (0, 0)>
#map1 = affine_map<(d0, d1) -> (0)>
module attributes {stable_mosaic.version = 14 : i64} {
  func.func @new_body(%arg0: i32, %arg1: i32, %arg2: memref<64x2048xf32, #tpu.memory_space<hbm>>, %arg3: memref<64xi32, #tpu.memory_space<hbm>>, %arg4: memref<32768x2048xf32, #tpu.memory_space<hbm>>, %arg5: memref<32768x2048xf32, #tpu.memory_space<hbm>>, %arg6: memref<64xi32, #tpu.memory_space<vmem>>, %arg7: memref<16x2048xf32, #tpu.memory_space<vmem>>, %arg8: memref<!tpu.dma_semaphore, #tpu.memory_space<semaphore_mem>>, %arg9: memref<!tpu.dma_semaphore, #tpu.memory_space<semaphore_mem>>) attributes {dimension_semantics = [#tpu.dimension_semantics<core_parallel>, #tpu.dimension_semantics<subcore_parallel>], iteration_bounds = array<i64: 1, 16>, scalar_prefetch = 0 : i64, scratch_operands = 4 : i64, tpu.core_type = #tpu.core_type<sc_vector_subcore>, window_params = [{transform_indices = #map}, {transform_indices = #map1}, {transform_indices = #map}, {transform_indices = #map}]} {
    %mul3A = arith.constant 16 : i32
    %mul3A_0 = arith.muli %arg1, %mul3A : i32
    %jit3A = arith.constant 64 : i32
    %eq3A = arith.constant 0 : i32
    %eq3A_1 = arith.cmpi eq, %jit3A, %eq3A : i32
    %jit3A_2 = arith.constant 1 : i32
    %select_n3A = arith.select %eq3A_1, %jit3A_2, %jit3A : i32
    %rem3A = arith.remsi %mul3A_0, %select_n3A : i32
    %ne3A = arith.constant 0 : i32
    %ne3A_3 = arith.cmpi ne, %rem3A, %ne3A : i32
    %lt3A = arith.constant 0 : i32
    %lt3A_4 = arith.cmpi slt, %rem3A, %lt3A : i32
    %lt3A_5 = arith.constant 0 : i32
    %lt3A_6 = arith.cmpi slt, %select_n3A, %lt3A_5 : i32
    %ne3A_7 = arith.xori %lt3A_4, %lt3A_6 : i1
    %and3A = arith.andi %ne3A_7, %ne3A_3 : i1
    %add3A = arith.addi %rem3A, %select_n3A : i32
    %select_n3A_8 = arith.select %and3A, %add3A, %rem3A : i32
    tpu.enqueue_dma source(%arg3 : memref<64xi32, #tpu.memory_space<hbm>>) target(%arg6 : memref<64xi32, #tpu.memory_space<vmem>>) target_semaphore(%arg8 : memref<!tpu.dma_semaphore, #tpu.memory_space<semaphore_mem>>)
    %dma_start3A = arith.constant 0 : i32
    %dma_start3A_9 = tpu.memref_slice %arg2[%select_n3A_8, %dma_start3A] : memref<64x2048xf32, #tpu.memory_space<hbm>> -> memref<16x2048xf32, #tpu.memory_space<hbm>>
    %dma_start3A_10 = arith.constant 0 : i32
    %dma_start3A_11 = tpu.memref_slice %arg2[%select_n3A_8, %dma_start3A_10] : memref<64x2048xf32, #tpu.memory_space<hbm>> -> memref<16x2048xf32, #tpu.memory_space<hbm>>
    tpu.enqueue_dma source(%dma_start3A_11 : memref<16x2048xf32, #tpu.memory_space<hbm>>) target(%arg7 : memref<16x2048xf32, #tpu.memory_space<vmem>>) target_semaphore(%arg9 : memref<!tpu.dma_semaphore, #tpu.memory_space<semaphore_mem>>)
    tpu.wait_dma2 semaphore(%arg8 : memref<!tpu.dma_semaphore, #tpu.memory_space<semaphore_mem>>) src(%arg3 : memref<64xi32, #tpu.memory_space<hbm>>) dst(%arg6 : memref<64xi32, #tpu.memory_space<vmem>>)
    %dma_wait3A = arith.constant 0 : i32
    %dma_wait3A_12 = tpu.memref_slice %arg2[%select_n3A_8, %dma_wait3A] : memref<64x2048xf32, #tpu.memory_space<hbm>> -> memref<16x2048xf32, #tpu.memory_space<hbm>>
    %dma_wait3A_13 = arith.constant 0 : i32
    %dma_wait3A_14 = tpu.memref_slice %arg2[%select_n3A_8, %dma_wait3A_13] : memref<64x2048xf32, #tpu.memory_space<hbm>> -> memref<16x2048xf32, #tpu.memory_space<hbm>>
    tpu.wait_dma2 semaphore(%arg9 : memref<!tpu.dma_semaphore, #tpu.memory_space<semaphore_mem>>) src(%dma_wait3A_14 : memref<16x2048xf32, #tpu.memory_space<hbm>>) dst(%arg7 : memref<16x2048xf32, #tpu.memory_space<vmem>>)
    %get3A = arith.index_cast %select_n3A_8 : i32 to index
    %get3A_15 = tpu.vector_load %arg6[%get3A] {strides = array<i32>} : memref<64xi32, #tpu.memory_space<vmem>>, vector<16xi32>,
    %get3A_16 = vector.shape_cast %get3A_15 : vector<16xi32> to vector<16xi32>
    %jit3A_17 = arith.constant 4 : i32
    %div3A = arith.divsi %arg1, %jit3A_17 : i32
    %sign3A = arith.constant 0 : i32
    %sign3A_18 = arith.cmpi sgt, %arg1, %sign3A : i32
    %sign3A_19 = arith.extui %sign3A_18 : i1 to i32
    %sign3A_20 = arith.constant 0 : i32
    %sign3A_21 = arith.cmpi slt, %arg1, %sign3A_20 : i32
    %sign3A_22 = arith.extui %sign3A_21 : i1 to i32
    %sign3A_23 = arith.subi %sign3A_19, %sign3A_22 : i32
    %sign3A_24 = arith.constant 0 : i32
    %sign3A_25 = arith.cmpi sgt, %jit3A_17, %sign3A_24 : i32
    %sign3A_26 = arith.extui %sign3A_25 : i1 to i32
    %sign3A_27 = arith.constant 0 : i32
    %sign3A_28 = arith.cmpi slt, %jit3A_17, %sign3A_27 : i32
    %sign3A_29 = arith.extui %sign3A_28 : i1 to i32
    %sign3A_30 = arith.subi %sign3A_26, %sign3A_29 : i32
    %ne3A_31 = arith.cmpi ne, %sign3A_23, %sign3A_30 : i32
    %rem3A_32 = arith.remsi %arg1, %jit3A_17 : i32
    %ne3A_33 = arith.constant 0 : i32
    %ne3A_34 = arith.cmpi ne, %rem3A_32, %ne3A_33 : i32
    %and3A_35 = arith.andi %ne3A_31, %ne3A_34 : i1
    %sub3A = arith.constant 1 : i32
    %sub3A_36 = arith.subi %div3A, %sub3A : i32
    %select_n3A_37 = arith.select %and3A_35, %sub3A_36, %div3A : i32
    %mul3A_38 = arith.constant 8192 : i32
    %mul3A_39 = arith.muli %select_n3A_37, %mul3A_38 : i32
    %add3A_40 = vector.broadcast %mul3A_39 : i32 to vector<16xi32>
    %add3A_41 = arith.addi %get3A_16, %add3A_40 : vector<16xi32>
    %dma_start3A_42 = arith.constant 0 : i32
    %dma_start3A_43 = arith.constant 0 : i32
    %dma_start3A_44 = tpu.memref_slice %arg4[%dma_start3A_42, %dma_start3A_43] : memref<32768x2048xf32, #tpu.memory_space<hbm>> -> memref<32768x2048xf32, #tpu.memory_space<hbm>>
    tpu.enqueue_indirect_dma source(%arg7 : memref<16x2048xf32, #tpu.memory_space<vmem>>) target(%dma_start3A_44 : memref<32768x2048xf32, #tpu.memory_space<hbm>>) offsets(%add3A_41 : vector<16xi32>) semaphore(%arg8 : memref<!tpu.dma_semaphore, #tpu.memory_space<semaphore_mem>>)
    %dma_wait3A_45 = arith.constant 0 : i32
    %dma_wait3A_46 = arith.constant 0 : i32
    %dma_wait3A_47 = tpu.memref_slice %arg4[%dma_wait3A_45, %dma_wait3A_46] : memref<32768x2048xf32, #tpu.memory_space<hbm>> -> memref<32768x2048xf32, #tpu.memory_space<hbm>>
    tpu.wait_indirect_dma semaphore(%arg8 : memref<!tpu.dma_semaphore, #tpu.memory_space<semaphore_mem>>) src(%arg7 : memref<16x2048xf32, #tpu.memory_space<vmem>>) dst(%dma_wait3A_47 : memref<32768x2048xf32, #tpu.memory_space<hbm>>)
    return
  }
}

</mosaic_0001>

<sc_bundles>
// kernel: kernel.3.cloned.1.call-start
scs
__scs_entry_jumppad:
0x0: {  	(pc) =	sbr.rel $0x88, $3  }
0x1: {  	(tag) =	ssettag $0x0;
	lr =	simm.s32 $0x1  }
0x2: {  	[smem:$0x3F9E] =	sst lr;
	_ =	strace $0xD0000000  }
0x3: {  	_ = 	snop  }
0x4: {  	_ = 	snop  }
0x5: {  	_ = 	snop  }
0x6: {  	_ = 	snop  }
0x7: {  	_ = 	snop  }
__scs_overlays_trampoline_lowered:
0x8: {  	[smem:$0x3FAD] =	sst s0  }
0x9: {  	[smem:$0x3FAE] =	sst s1  }
0xa: {  	[smem:$0x3FAF] =	sst s2  }
0xb: {  	[smem:$0x3FB0] =	sst s3  }
0xc: {  	[smem:$0x3FB1] =	sst s4  }
0xd: {  	[smem:$0x3FB2] =	sst s5  }
0xe: {  	[smem:$0x3FB3] =	sst s6  }
0xf: {  	[smem:$0x3FB4] =	sst s7  }
0x10: {  	[smem:$0x3FB5] =	sst s8  }
0x11: {  	[smem:$0x3FB6] =	sst s9;
	s0 =	simm.s32 @!p0 $0x0  }
0x12: {  	s1 =	sld [smem:$0x3F9C];
	s0 =	simm.s32 @p0 $0x1  }
0x13: {  	[smem:$0x3FB7] =	sst s0;
	s0 =	simm.s32 @!p1 $0x0  }
0x14: {  	s2 =	sld [smem:$0x3F9B];
	s0 =	simm.s32 @p1 $0x1  }
0x15: {  	[smem:$0x3FB8] =	sst s0;
	s0 =	simm.s32 @!p2 $0x0  }
0x16: {  	s3 =	sld [smem:$0x3FDB];
	s0 =	simm.s32 @p2 $0x1  }
0x17: {  	s4 =	simm.s32 $0x1BF5;
	[smem:$0x3FBA] =	sst s0  }
0x18: {  	s0 =	sld [smem:$0x3F9D];
	_ =	swait.ge [sflag:s4], $0x0  }
0x19: {  	s7 =	sld [smem:$0x3F9E]  }
0x1a: {  	s8 =	sadd.s32 $0xFFFFE003, lr  }
0x1b: {  	s9 =	sadd.s32 $0xFFFFFEF7, lr;
	s5 =	simm.s32 $0xFFFFFFFF;
	p2 =	slt.u32 s8, $0xFFFFF086  }
0x1c: {  	p1 =	slt.u32 s9, $0xF7A;
	s5 =	simm.s32 @!p2 $0x0  }
0x1d: {  	s5 =	simm.s32 @p1 $0x1;
	p0 =	seq.s32 s7, s2  }
0x1e: {  	s7 =	smul.u32 @!p0 $0xF7A, s2;
	p2 =	seq.s32 @!p0 s5, $0x0  }
0x1f: {  	s9 =	smul.u32 $0xF7A, s1;
	s8 =	simm.s32 @!p0 $0x1BF5;
	p2 =	por !p2, p0  }
0x20: {  	[sflag:s8] =	ssyncset.s32 @!p0 $0xFFFFF086;
	s6 =	sadd.s32 @!p0 s3, s7;
	s7 =	simm.s32 @!p0 $0x108  }
0x21: {  	s3 =	sadd.s32 s3, s9;
	s6 =	sadd.s32 @!p0 $0x88, s6;
	s7 =	simm.s32 @p2 $0x1082  }
0x22: {  	[simem:s7], [sflag:s8] =	dma.local @!p0 [hbm:s6], $0xF7A  }
0x23: {  	s9 =	sor.u32 $0xD0000000, s2;
	s6 =	simm.s32 $0x108;
	_ =	swait.ge @!p0 [sflag:s8], $0x0  }
0x24: {  	s3 =	sadd.s32 $0x88, s3;
	s6 =	simm.s32 @!p1 $0x1082;
	[sflag:s4] =	ssyncset.s32 $0xFFFFF086  }
0x25: {  	[simem:s6], [sflag:s4] =	dma.local [hbm:s3], $0xF7A  }
0x26: {  	[smem:$0x3F9E] =	sst s1;
	(tag) =	ssettag s2;
	_ =	strace s9  }
0x27: {  	s1 =	sld [smem:$0x3FAE]  }
0x28: {  	s2 =	sld [smem:$0x3FAF]  }
0x29: {  	s4 =	sld [smem:$0x3FB1]  }
0x2a: {  	p0 =	seq.s32 s5, $0x0;
	s5 =	sld [smem:$0x3FB2]  }
0x2b: {  	s6 =	sld [smem:$0x3FB3]  }
0x2c: {  	s7 =	sld [smem:$0x3FB4]  }
0x2d: {  	s3 =	simm.s32 $0x108;
	s8 =	sld [smem:$0x3FB5]  }
0x2e: {  	s3 =	simm.s32 @!p0 $0x1082;
	s9 =	sld [smem:$0x3FB6]  }
0x2f: {  	lr =	sadd.s32 s0, s3;
	s0 =	sld [smem:$0x3FAD]  }
0x30: {  	s3 =	sld [smem:$0x3FB0]  }
0x31: {  	[smem:$0x3FB9] =	sst s10  }
0x32: {  	s10 =	sld [smem:$0x3FB7];
	_ =	sdelay $0x3  }
0x33: {  	p0 =	seq.s32 s10, $0x1;
	s10 =	sld [smem:$0x3FB9];
	_ =	sdelay $0x3  }
0x34: {  	[smem:$0x3FB9] =	sst s10  }
0x35: {  	s10 =	sld [smem:$0x3FB8];
	_ =	sdelay $0x3  }
0x36: {  	p1 =	seq.s32 s10, $0x1;
	s10 =	sld [smem:$0x3FB9];
	_ =	sdelay $0x3  }
0x37: {  	[smem:$0x3FB9] =	sst s10  }
0x38: {  	s10 =	sld [smem:$0x3FBA]  }
0x39: {  	_ = 	snop;
	(pc) =	sbr.ind lr, $3  }
0x3a: {  	_ = 	snop  }
0x3b: {  	_ = 	snop  }
0x3c: {  	p2 =	seq.s32 s10, $0x1;
	s10 =	sld [smem:$0x3FB9]  }
0x3d: {  	_ =	shalt  }
0x3e: {  	_ =	shalt  }
0x3f: {  	_ =	shalt  }
0x40: {  	_ =	shalt  }
0x41: {  	_ =	shalt  }
0x42: {  	_ =	shalt  }
0x43: {  	_ =	shalt  }
0x44: {  	_ =	shalt  }
0x45: {  	_ =	shalt  }
0x46: {  	_ =	shalt  }
0x47: {  	_ =	shalt  }
0x48: {  	_ =	shalt  }
0x49: {  	_ =	shalt  }
0x4a: {  	_ =	shalt  }
0x4b: {  	_ =	shalt  }
0x4c: {  	_ =	shalt  }
0x4d: {  	_ =	shalt  }
0x4e: {  	_ =	shalt  }
0x4f: {  	_ =	shalt  }
0x50: {  	_ =	shalt  }
0x51: {  	_ =	shalt  }
0x52: {  	_ =	shalt  }
0x53: {  	_ =	shalt  }
0x54: {  	_ =	shalt  }
0x55: {  	_ =	shalt  }
0x56: {  	_ =	shalt  }
0x57: {  	_ =	shalt  }
0x58: {  	_ =	shalt  }
0x59: {  	_ =	shalt  }
0x5a: {  	_ =	shalt  }
0x5b: {  	_ =	shalt  }
0x5c: {  	_ =	shalt  }
0x5d: {  	_ =	shalt  }
0x5e: {  	_ =	shalt  }
0x5f: {  	_ =	shalt  }
0x60: {  	_ =	shalt  }
0x61: {  	_ =	shalt  }
0x62: {  	_ =	shalt  }
0x63: {  	_ =	shalt  }
0x64: {  	_ =	shalt  }
0x65: {  	_ =	shalt  }
0x66: {  	_ =	shalt  }
0x67: {  	_ =	shalt  }
0x68: {  	_ =	shalt  }
0x69: {  	_ =	shalt  }
0x6a: {  	_ =	shalt  }
0x6b: {  	_ =	shalt  }
0x6c: {  	_ =	shalt  }
0x6d: {  	_ =	shalt  }
0x6e: {  	_ =	shalt  }
0x6f: {  	_ =	shalt  }
0x70: {  	_ =	shalt  }
0x71: {  	_ =	shalt  }
0x72: {  	_ =	shalt  }
0x73: {  	_ =	shalt  }
0x74: {  	_ =	shalt  }
0x75: {  	_ =	shalt  }
0x76: {  	_ =	shalt  }
0x77: {  	_ =	shalt  }
0x78: {  	_ =	shalt  }
0x79: {  	_ =	shalt  }
0x7a: {  	_ =	shalt  }
0x7b: {  	_ =	shalt  }
0x7c: {  	_ =	shalt  }
0x7d: {  	_ =	shalt  }
0x7e: {  	_ =	shalt  }
0x7f: {  	_ =	shalt  }
0x80: {  	_ =	shalt  }
0x81: {  	_ =	shalt  }
0x82: {  	_ =	shalt  }
0x83: {  	_ =	shalt  }
0x84: {  	_ =	shalt  }
0x85: {  	_ =	shalt  }
0x86: {  	_ =	shalt  }
0x87: {  	_ =	shalt  }
.Lfunc_end0:
.L_simem_size_0:
called_computation_lowered:
.L_overlay_start_0:
0x88: {  	s0 =	sld [smem:$0x3FD9]  }
0x89: {  	s1 =	sld [smem:$0x3FFE];
	_ =	sdelay $0x3  }
0x8a: {  	s0 =	sadd.s32 s1, s0  }
0x8b: {  	[smem:$0x3FC5] =	sst s0  }
0x8c: {  	_ = 	snop  }
0x8d: {  	s0 =	sld [smem:$0x3FC8]  }
0x8e: {  	s17 =	sld [smem:$0x3FC7]  }
0x8f: {  	s2 =	sld [smem:$0x3FD0];
	(tm) =	ssettm $0x1  }
0x90: {  	s3 =	sld [smem:$0x3FFB];
	_ =	sdelay $0x3  }
0x91: {  	_ =	strace s3  }
0x92: {  	s3 =	sld [smem:$0x3FFC];
	_ =	sdelay $0x3  }
0x93: {  	_ =	strace s3  }
0x94: {  	s3 =	sld [smem:$0x3FFD];
	_ =	sdelay $0x3  }
0x95: {  	_ =	strace s3  }
0x96: {  	_ =	strace $0x8FFFFFFF  }
0x97: {  	s18 =	sld [smem:$0x3FDB];
	_ =	sdelay $0x1  }
0x98: {  	s4 =	simm.s32 $_scs_section_size  }
0x99: {  	s5 =	simm.s32 $_size__tile_overlayer_lowered;
	s6 =	simm.s32 $_tile_overlayer_lowered  }
0x9a: {  	s21 =	simm.s32 $0x1BFF;
	s20 =	sshll.u32 s6, $0x1;
	s3 =	sadd.s32 s4, s18  }
0x9b: {  	s7 =	simm.s32 $0x0;
	s19 =	sshll.u32 s5, $0x1;
	s5 =	sadd.s32 s20, s3  }
0x9c: {  	[timem:s7], [sflag:s21] =	dma.local [hbm:s5], s19  }
0x9d: {  	_ =	swait.ge [sflag:s21], s19  }
0x9e: {  	s4 =	ssub.s32 $0x0, s19;
	[sflag:s21] =	ssyncset.done $0x0  }
0x9f: {  	[sflag:s21] =	ssyncadd.s32 s4;
	_ =	sdelay $0x1  }
0xa0: {  	s22 =	simm.s32 $0x1B8B  }
0xa1: {  	_ =	swait.ge [sflag:s22], $0x1  }
0xa2: {  	[sflag:s22] =	ssyncset.done $0x0  }
0xa3: {  	s23 =	simm.s32 $0x1B8E;
	[sflag:s22] =	ssyncadd.s32 $0xFFFFFFFF  }
0xa4: {  	s24 =	simm.s32 $execute0_lowered;
	[smem:$0x3FD2] =	sst s23  }
0xa5: {  	s4 =	sshll.u32 s24, $0x1;
	_ =	strace $0x80000046;
	[dreg:$0x1] =	wrdreg $0xFFFFFFFF  }
0xa6: {  	s25 =	simm.s32 $_size_execute0_lowered;
	s3 =	sadd.s32 s3, s4;
	[dreg:$0x0] =	wrdreg $0x0  }
0xa7: {  	s4 =	sshll.u32 s25, $0x1;
	[dreg:$0x2] =	wrdreg s3  }
0xa8: {  	[dreg:$0x3] =	wrdreg s4  }
0xa9: {  	[dreg:$0x4] =	wrdreg $0xC0  }
0xaa: {  	_ =	task [dreg:s7], $0x5FFFF  }
0xab: {  	[dreg:$0x1] =	wrdreg $0xFFFFFFFF  }
0xac: {  	[dreg:$0x0] =	wrdreg $0x60  }
0xad: {  	[dreg:$0x2] =	wrdreg s0  }
0xae: {  	[dreg:$0x3] =	wrdreg s17  }
0xaf: {  	[dreg:$0x4] =	wrdreg s2  }
0xb0: {  	[dreg:$0x5] =	wrdreg $0x9  }
0xb1: {  	_ =	task.clear_ibuf [dreg:s7], $0x6FFFF;
	_ =	strace $0x90000046  }
0xb2: {  	s26 =	simm.s32 $0x9;
	_ =	strace $0x80000048  }
0xb3: {  	_ =	swait.ge [sflag:s26], $0x1  }
0xb4: {  	[sflag:s26] =	ssyncadd.s32 $0xFFFFFFFF  }
0xb5: {  	_ =	strace $0x90000048  }
0xb6: {  	_ =	sfence  }
0xb7: {  	s28 =	sld [smem:$0x0];
	_ =	sdelay $0x1  }
0xb8: {  	s29 =	srdreg.scid  }
0xb9: {  	s30 =	sshll.u32 s29, $0xD;
	s31 =	sshrl.u32 s29, $0x2  }
0xba: {  	s1 =	sand.u32 $0x1, s29;
	s2 =	sand.u32 $0x4000, s30;
	s0 =	sadd.s32 s31, s28  }
0xbb: {  	s1 =	sor.u32 s2, s1;
	s0 =	sshll.u32 s0, $0x11  }
0xbc: {  	s0 =	sor.u32 s0, s1  }
0xbd: {  	s0 =	sadd.s32 $0x8F2B, s0  }
0xbe: {  	[sflag:s0] =	ssyncadd.remote.s32 $0x1  }
0xbf: {  	_ =	sfence.sel $0xFFFF  }
0xc0: {  	[dreg:$0x0] =	wrdreg $0xFFFFFFFF;
	(pc) =	sbr.abs _section_cstart, $3  }
0xc1: {  	[dreg:$0x1] =	wrdreg $0xFFFFFFFF  }
0xc2: {  	_ =	task.clear_ibuf [dreg:s7], $0x2FFFF;
	_ =	strace $0x9FFFFFFF  }
0xc3: {  	(tm) =	ssettm $0x7FFFFFFF  }
tec
execute0_lowered:
.L_overlay_start_1:
0x0: {  	(tag) =	ssettag $0x1  }
0x1: {  	s3 =	rddreg [dreg:$0x0]  }
0x2: {  	s4 =	rddreg [dreg:$0x1];
	s1 =	stileid.u32  }
0x3: {  	s5 =	rddreg [dreg:$0x2];
	s2 =	simm.s32 $0x0;
	s6 =	sshll.u32 s1, $0x4  }
0x4: {  	[smem:$0x7FF] =	sst s2;
	s6 =	sand.u32 $0x30, s6  }
0x5: {  	s0 =	rddreg [dreg:$0x3];
	_ =	strace $0x80000047;
	s7 =	sshll.u32 s6, $0x8  }
0x6: {  	[tilespmem:s2], [sflag:$0x1] =	stream.linear.gather [hbm4b:s4+s2], $0x80, $0x38;
	[tilespmem:$0x8080] =	vst v63  }
0x7: {  	s11 =	simm.s32 $0x80;
	s3 =	sadd.s32 s3, s7  }
0x8: {  	[tilespmem:s11], [sflag:$0x2] =	stream.linear.gather [hbm4b:s3+s2], $0x8000, $0x38;
	[tilespmem:$0x8080] =	vst v63  }
0x9: {  	s3 =	simm.s32 $0x1  }
0xa: {  	_ =	swait.ge [sflag:s3], $0x80  }
0xb: {  	[sflag:s3] =	ssyncset.done $0x0  }
0xc: {  	s12 =	simm.s32 $0x2;
	[sflag:s3] =	ssyncadd.s32 $0xFFFFFF80  }
0xd: {  	_ =	swait.ge [sflag:s12], $0x8000  }
0xe: {  	[sflag:s12] =	ssyncset.done $0x0  }
0xf: {  	[sflag:s12] =	ssyncadd.s32 $0xFFFF8000  }
0x10: {  	v0 =	vld [tilespmem:s6+$0x0];
	_ =	sdelay $0x2  }
0x11: {  	s13 =	sshll.u32 s1, $0xB  }
0x12: {  	s6 =	sand.u32 $0x6000, s13  }
0x13: {  	v1 =	vadd.s32 s6, v0  }
0x14: {  	v1 =	vshll.u32 v1, $0x4  }
0x15: {  	v2 =	vlaneseq.u32;
	v0 =	vand.u32 $0x7, v0;
	v1 =	vand.u32 $0xFFFFFF80, v1  }
0x16: {  	v63 =	vand.u32 $0x7, v2;
	v3 =	vshrl.u32 v2, $0x3;
	v0 =	vor.u32 v0, v1  }
0x17: {  	v3 =	vmul.u32 $0x8, v3;
	v1 =	vperm.xlane v0, v63;
	_ =	sdelay $0x1  }
0x18: {  	v1 =	vadd.s32 v3, v1;
	_ =	sdelay $0x3  }
0x19: {  	vm0 =	vmmov $0xffff  }
0x1a: {  	[hbm4b:s5+s2] =	stream.indirect_vreg.scatter [tilespmem:s11], [sflag:$0x1], $0x80, v1, vm0, $0xb8;
	[tilespmem:$0x8080] =	vst v63  }
0x1b: {  	s15 =	simm.s32 $0x880;
	s14 =	sadd.s32 $0x100, s5  }
0x1c: {  	[hbm4b:s14+s2] =	stream.indirect_vreg.scatter [tilespmem:s15], [sflag:$0x1], $0x80, v1, vm0, $0xb8;
	[tilespmem:$0x8080] =	vst v63  }
0x1d: {  	s17 =	simm.s32 $0x1080;
	s16 =	sadd.s32 $0x200, s5  }
0x1e: {  	[hbm4b:s16+s2] =	stream.indirect_vreg.scatter [tilespmem:s17], [sflag:$0x1], $0x80, v1, vm0, $0xb8;
	[tilespmem:$0x8080] =	vst v63  }
0x1f: {  	s8 =	simm.s32 $0x1880;
	s18 =	sadd.s32 $0x300, s5  }
0x20: {  	[hbm4b:s18+s2] =	stream.indirect_vreg.scatter [tilespmem:s8], [sflag:$0x1], $0x80, v1, vm0, $0xb8;
	[tilespmem:$0x8080] =	vst v63  }
0x21: {  	s9 =	simm.s32 $0x2080;
	s19 =	sadd.s32 $0x400, s5  }
0x22: {  	v2 =	vor.u32 $0x8, v2;
	[hbm4b:s19+s2] =	stream.indirect_vreg.scatter [tilespmem:s9], [sflag:$0x1], $0x80, v1, vm0, $0xb8;
	[tilespmem:$0x8080] =	vst v63  }
0x23: {  	s10 =	simm.s32 $0x2880;
	s20 =	sadd.s32 $0x500, s5;
	v0 =	vperm.xlane v0, v2  }
0x24: {  	[hbm4b:s20+s2] =	stream.indirect_vreg.scatter [tilespmem:s10], [sflag:$0x1], $0x80, v1, vm0, $0xb8;
	[tilespmem:$0x8080] =	vst v63  }
0x25: {  	s21 =	sadd.s32 $0x600, s5;
	v0 =	vadd.s32 v3, v0;
	s11 =	simm.s32 $0x3080  }
0x26: {  	[hbm4b:s21+s2] =	stream.indirect_vreg.scatter [tilespmem:s11], [sflag:$0x1], $0x80, v1, vm0, $0xb8;
	[tilespmem:$0x8080] =	vst v63  }
0x27: {  	s22 =	sadd.s32 $0x700, s5;
	s12 =	simm.s32 $0x3880  }
0x28: {  	[hbm4b:s22+s2] =	stream.indirect_vreg.scatter [tilespmem:s12], [sflag:$0x1], $0x80, v1, vm0, $0xb8;
	[tilespmem:$0x8080] =	vst v63  }
0x29: {  	s23 =	simm.s32 $0x4080  }
0x2a: {  	[hbm4b:s5+s2] =	stream.indirect_vreg.scatter [tilespmem:s23], [sflag:$0x1], $0x80, v0, vm0, $0xb8;
	[tilespmem:$0x8080] =	vst v63  }
0x2b: {  	s24 =	simm.s32 $0x4880  }
0x2c: {  	[hbm4b:s14+s2] =	stream.indirect_vreg.scatter [tilespmem:s24], [sflag:$0x1], $0x80, v0, vm0, $0xb8;
	[tilespmem:$0x8080] =	vst v63  }
0x2d: {  	s25 =	simm.s32 $0x5080  }
0x2e: {  	[hbm4b:s16+s2] =	stream.indirect_vreg.scatter [tilespmem:s25], [sflag:$0x1], $0x80, v0, vm0, $0xb8;
	[tilespmem:$0x8080] =	vst v63  }
0x2f: {  	s26 =	simm.s32 $0x5880  }
0x30: {  	[hbm4b:s18+s2] =	stream.indirect_vreg.scatter [tilespmem:s26], [sflag:$0x1], $0x80, v0, vm0, $0xb8;
	[tilespmem:$0x8080] =	vst v63  }
0x31: {  	s28 =	simm.s32 $0x6080  }
0x32: {  	[hbm4b:s19+s2] =	stream.indirect_vreg.scatter [tilespmem:s28], [sflag:$0x1], $0x80, v0, vm0, $0xb8;
	[tilespmem:$0x8080] =	vst v63  }
0x33: {  	s29 =	simm.s32 $0x6880  }
0x34: {  	[hbm4b:s20+s2] =	stream.indirect_vreg.scatter [tilespmem:s29], [sflag:$0x1], $0x80, v0, vm0, $0xb8;
	[tilespmem:$0x8080] =	vst v63  }
0x35: {  	s30 =	simm.s32 $0x7080  }
0x36: {  	[hbm4b:s21+s2] =	stream.indirect_vreg.scatter [tilespmem:s30], [sflag:$0x1], $0x80, v0, vm0, $0xb8;
	[tilespmem:$0x8080] =	vst v63  }
0x37: {  	s31 =	simm.s32 $0x7880  }
0x38: {  	[hbm4b:s22+s2] =	stream.indirect_vreg.scatter [tilespmem:s31], [sflag:$0x1], $0x80, v0, vm0, $0xb8;
	[tilespmem:$0x8080] =	vst v63  }
0x39: {  	_ =	swait.ge [sflag:s3], $0x8000  }
0x3a: {  	[sflag:s3] =	ssyncset.done $0x0  }
0x3b: {  	[sflag:s3] =	ssyncadd.s32 $0xFFFF8000  }
0x3c: {  	_ =	sfence.sel $0x180000  }
0x3d: {  	[bflag:$0x0] =	sbarrier.arrive $0xFFFF  }
0x3e: {  	p0 =	sne.s32 s1, $0x0;
	_ =	strace $0x90000047  }
0x3f: {  	s0 =	sadd.s32 @!p0 $0x100000, s0;
	[bflag:$0x2] =	sbarrier.arrive $0xFFFF  }
0x40: {  	[sflag:s0] =	ssyncadd.tile.s32 @!p0 $0x1;
	_ =	shalt  }
.Lfunc_end2:
_tile_overlayer_lowered:
.L_overlay_start_2:
0x41: {  	(tag) =	ssettag $0x2  }
0x42: {  	s0 =	rddreg [dreg:$0x0];
	s2 =	stileid.u32  }
0x43: {  	s1 =	rddreg [dreg:$0x1];
	p0 =	sne.s32 s2, $0x0  }
0x44: {  	s3 =	rddreg [dreg:$0x2];
	[bflag:$0x3] =	sbarrier.arrive $0xFFFF;
	s2 =	simm.s32 @!p0 $0x1C03  }
0x45: {  	[timem:s3], [sflag:s2] =	dma.local @!p0 [hbm:s0], s1  }
0x46: {  	s0 =	simm.s32 @!p0 $0x3  }
0x47: {  	_ =	swait.ge @!p0 [sflag:s0], s1  }
0x48: {  	s1 =	ssub.s32 @!p0 $0x0, s1;
	[sflag:s0] =	ssyncset.done @!p0 $0x0  }
0x49: {  	[sflag:s0] =	ssyncadd.s32 @!p0 s1  }
0x4a: {  	[bflag:$0x3] =	sbarrier.arrive $0xFFFF  }
0x4b: {  	_ =	shalt  }

</sc_bundles>
